<compile_context>
chip_gen: v7x
topology: tpu7x:2x2x1
jax: 0.10.2.dev20260603
libtpu: 0.0.44.dev20260713+nightly
codegen_flags: <defaults>
</compile_context>

<pallas_src>
import jax
import jax.numpy as jnp
from jax import lax
from jax.experimental import pallas as pl
from jax.experimental.pallas import tpu as pltpu
from jax.experimental.pallas import tpu_sc as plsc

_N = 24
_E = 128


def _edge_hist_scs_body(edge_hbm, zeros_hbm, out_hbm, edge_s, cnt_s,
                        sem1, sem2):
    cp1 = pltpu.async_copy(edge_hbm, edge_s, sem1)
    cp2 = pltpu.async_copy(zeros_hbm, cnt_s, sem2)
    cp1.wait()
    cp2.wait()

    def acc(e, _):
        s = edge_s[0, e]
        d = edge_s[1, e]
        cnt_s[d, s] = cnt_s[d, s] + 1
        return 0

    lax.fori_loop(0, _E, acc, 0)
    pltpu.sync_copy(cnt_s, out_hbm)


def _edge_hist_scs(edge_index, zeros):
    mesh = plsc.ScalarSubcoreMesh(axis_name="c", num_cores=1)
    return pl.kernel(
        _edge_hist_scs_body,
        out_type=jax.ShapeDtypeStruct((_N, _N), jnp.int32),
        mesh=mesh,
        compiler_params=pltpu.CompilerParams(
            needs_layout_passes=False,
            skip_device_barrier=True,
            disable_bounds_checks=True,
            disable_semaphore_checks=True,
        ),
        scratch_types=[
            pltpu.SMEM((2, _E), jnp.int32),
            pltpu.SMEM((_N, _N), jnp.int32),
            pltpu.SemaphoreType.DMA,
            pltpu.SemaphoreType.DMA,
        ],
    )(edge_index, zeros)


def _dense_body(x_ref, c_ref, w1_ref, b1_ref, w2_ref, b2_ref, w3_ref, b3_ref,
                fc1_ref, fc1b_ref, fc2_ref, fc2b_ref, out_ref):
    f32 = jnp.float32

    def mm(a, b):
        return jnp.dot(a, b, preferred_element_type=f32,
                       precision=lax.Precision.HIGHEST)

    def mm_def(a, b):
        return jnp.dot(a, b, preferred_element_type=f32,
                       precision=lax.Precision.DEFAULT)

    C = c_ref[:].astype(f32)
    deg2 = mm(jnp.ones((1, _N), f32), C)
    safe = jnp.where(deg2 > 0.0, deg2, 1.0)
    dis2 = jnp.where(deg2 > 0.0, 1.0 / jnp.sqrt(safe), 0.0)

    r = lax.broadcasted_iota(jnp.int32, (_N, _N), 0)
    cc = lax.broadcasted_iota(jnp.int32, (_N, _N), 1)
    eye = r == cc
    D = jnp.where(eye, jnp.broadcast_to(dis2, (_N, _N)), 0.0)
    L = -mm(mm(D, C), D)
    degb = jnp.broadcast_to(deg2, (_N, _N))
    L = jnp.where(eye & (degb == 0.0), L - 1.0, L)

    def cheb(h, w_ref, b_ref, K):
        out = mm_def(h, w_ref[0])
        Tx0 = h
        Tx1 = mm(L, h)
        out = out + mm_def(Tx1, w_ref[1])
        for k in range(2, K):
            Tx2 = 2.0 * mm(L, Tx1) - Tx0
            out = out + mm_def(Tx2, w_ref[k])
            Tx0, Tx1 = Tx1, Tx2
        return out + b_ref[:].reshape(1, -1)

    def elu(v):
        return jnp.where(v > 0.0, v, jnp.exp(jnp.minimum(v, 0.0)) - 1.0)

    h = elu(cheb(x_ref[:], w1_ref, b1_ref, 3))
    h = elu(cheb(h, w2_ref, b2_ref, 3))
    h = elu(cheb(h, w3_ref, b3_ref, 5))

    acc = [fc1b_ref[:].reshape(1, -1),
           jnp.zeros((1, 128), f32), jnp.zeros((1, 128), f32),
           jnp.zeros((1, 128), f32)]
    for n in range(_N):
        acc[n % 4] = acc[n % 4] + mm_def(
            lax.slice(h, (n, 0), (n + 1, 32)), fc1_ref[n])
    y = (acc[0] + acc[1]) + (acc[2] + acc[3])
    z = mm_def(y, fc2_ref[:]) + fc2b_ref[:].reshape(1, 2)

    m = jnp.max(z, axis=1, keepdims=True)
    e = jnp.exp(z - m)
    lse = m + jnp.log(jnp.sum(e, axis=1, keepdims=True))
    out_ref[:] = z - lse


def _dense_call(x, cmat, W1, b1, W2, b2, W3, b3, fc1_wr, fc1_b, fc2_w, fc2_b):
    return pl.pallas_call(
        _dense_body,
        out_shape=jax.ShapeDtypeStruct((1, 2), jnp.float32),
    )(x, cmat, W1, b1, W2, b2, W3, b3, fc1_wr, fc1_b, fc2_w, fc2_b)


def kernel(x, edge_index, W1, b1, W2, b2, W3, b3, fc1_w, fc1_b, fc2_w, fc2_b):
    cmat = _edge_hist_scs(edge_index, jnp.zeros((_N, _N), jnp.int32))
    fc1_wr = fc1_w.reshape(_N, 32, 128)
    return _dense_call(x, cmat, W1, b1, W2, b2, W3, b3,
                       fc1_wr, fc1_b, fc2_w, fc2_b)

# --- scband reference (transcript-rebuilt; emitter-appended) ---
"""Pipeline reference for scband-cheb-conv-8-16-32-5729486372946 (READ-ONLY COPY).

The authoritative reference and input builder live on the scoring server;
editing this copy changes nothing except your own understanding.
"""

import jax, jax.numpy as jnp
import numpy as np

N = 24
F_IN = 128
E = 128
NUM_CLASSES = 2

def _glorot(key, shape):
    limit = float(np.sqrt(6.0 / (shape[-2] + shape[-1])))
    return jax.random.uniform(key, shape, minval=-limit, maxval=limit, dtype=jnp.float32)

def setup_inputs(seed: int = 0):
    key = jax.random.key(seed)
    ks = jax.random.split(key, 12)
    x = jax.random.normal(ks[0], (N, F_IN), dtype=jnp.float32)
    edge_index = jax.random.randint(ks[1], (2, E), 0, N, dtype=jnp.int32)
    W1 = _glorot(ks[2], (3, F_IN, 8)); b1 = jnp.zeros((8,), jnp.float32)
    W2 = _glorot(ks[3], (3, 8, 16)); b2 = jnp.zeros((16,), jnp.float32)
    W3 = _glorot(ks[4], (5, 16, 32)); b3 = jnp.zeros((32,), jnp.float32)
    fc1_w = _glorot(ks[5], (768, 128)); fc1_b = jnp.zeros((128,), jnp.float32)
    fc2_w = _glorot(ks[6], (128, NUM_CLASSES)); fc2_b = jnp.zeros((NUM_CLASSES,), jnp.float32)
    return {"x": x, "edge_index": edge_index, "W1": W1, "b1": b1, "W2": W2, "b2": b2, "W3": W3, "b3": b3, "fc1_w": fc1_w, "fc1_b": fc1_b, "fc2_w": fc2_w, "fc2_b": fc2_b}

def _cheb_conv(h, src, dst, W, b):
    # PyG ChebConv with sym normalization, lambda_max=2:
    # Lhat = 2*L/lambda_max - I = -D^{-1/2} A D^{-1/2} (diag 0 for deg>0, -1 for deg==0)
    K = W.shape[0]
    ones = jnp.ones(src.shape[0], dtype=h.dtype)
    deg = jax.ops.segment_sum(ones, src, num_segments=N)
    safe = jnp.where(deg > 0, deg, 1.0)
    dis = jnp.where(deg > 0, 1.0 / jnp.sqrt(safe), 0.0)
    w_edge = -dis[src] * dis[dst]
    diag = jnp.where(deg > 0, 0.0, -1.0)
    def lap(v):
        agg = jax.ops.segment_sum(w_edge[:, None] * v[src], dst, num_segments=N)
        return agg + diag[:, None] * v
    Tx0 = h
    out = Tx0 @ W[0]
    Tx1 = lap(Tx0)
    out = out + Tx1 @ W[1]
    for k in range(2, K):
        Tx2 = 2.0 * lap(Tx1) - Tx0
        out = out + Tx2 @ W[k]
        Tx0, Tx1 = Tx1, Tx2
    return out + b

def reference(x, edge_index, W1, b1, W2, b2, W3, b3, fc1_w, fc1_b, fc2_w, fc2_b):
    src, dst = edge_index[0], edge_index[1]
    h = jax.nn.elu(_cheb_conv(x, src, dst, W1, b1))
    h = jax.nn.elu(_cheb_conv(h, src, dst, W2, b2))
    h = jax.nn.elu(_cheb_conv(h, src, dst, W3, b3))
    flat = h.reshape(-1)
    z = flat @ fc1_w + fc1_b
    z = z @ fc2_w + fc2_b
    return jax.nn.log_softmax(z.reshape(1, 2), axis=1)

if __name__ == "__main__":
    import jax
    _d = setup_inputs()
    print(jax.jit(kernel)(*tuple(_d.values())))

</pallas_src>

<mosaic_0001>
#map = affine_map<(d0) -> (0, 0)>
module attributes {stable_mosaic.version = 14 : i64} {
  func.func @_edge_hist_scs_body(%arg0: i32, %arg1: memref<2x128xi32, #tpu.memory_space<hbm>>, %arg2: memref<24x24xi32, #tpu.memory_space<hbm>>, %arg3: memref<24x24xi32, #tpu.memory_space<hbm>>, %arg4: memref<2x128xi32, #tpu.memory_space<smem>>, %arg5: memref<24x24xi32, #tpu.memory_space<smem>>, %arg6: memref<!tpu.dma_semaphore, #tpu.memory_space<semaphore_mem>>, %arg7: memref<!tpu.dma_semaphore, #tpu.memory_space<semaphore_mem>>) attributes {dimension_semantics = [#tpu.dimension_semantics<core_parallel>], iteration_bounds = array<i64: 1>, scalar_prefetch = 0 : i64, scratch_operands = 4 : i64, tpu.core_type = #tpu.core_type<sc_scalar_subcore>, window_params = [{transform_indices = #map}, {transform_indices = #map}, {transform_indices = #map}]} {
    tpu.enqueue_dma source(%arg1 : memref<2x128xi32, #tpu.memory_space<hbm>>) target(%arg4 : memref<2x128xi32, #tpu.memory_space<smem>>) target_semaphore(%arg6 : memref<!tpu.dma_semaphore, #tpu.memory_space<semaphore_mem>>)
    tpu.enqueue_dma source(%arg2 : memref<24x24xi32, #tpu.memory_space<hbm>>) target(%arg5 : memref<24x24xi32, #tpu.memory_space<smem>>) target_semaphore(%arg7 : memref<!tpu.dma_semaphore, #tpu.memory_space<semaphore_mem>>)
    tpu.wait_dma2 semaphore(%arg6 : memref<!tpu.dma_semaphore, #tpu.memory_space<semaphore_mem>>) src(%arg1 : memref<2x128xi32, #tpu.memory_space<hbm>>) dst(%arg4 : memref<2x128xi32, #tpu.memory_space<smem>>)
    tpu.wait_dma2 semaphore(%arg7 : memref<!tpu.dma_semaphore, #tpu.memory_space<semaphore_mem>>) src(%arg2 : memref<24x24xi32, #tpu.memory_space<hbm>>) dst(%arg5 : memref<24x24xi32, #tpu.memory_space<smem>>)
    %scan3A = arith.constant 0 : i32
    %scan3A_0 = arith.constant 0 : i32
    %scan3A_1 = arith.constant 128 : i32
    %scan3A_2 = arith.addi %scan3A_0, %scan3A_1 : i32
    %scan3A_3 = arith.constant 1 : i32
    %scan3A_4 = scf.for %scan3A_6 = %scan3A_0 to %scan3A_2 step %scan3A_3 iter_args(%scan3A_7 = %scan3A) -> (i32)  : i32 {
      %get3A = arith.constant 0 : i32
      %get3A_8 = arith.index_cast %get3A : i32 to index
      %get3A_9 = arith.index_cast %scan3A_6 : i32 to index
      %get3A_10 = memref.load %arg4[%get3A_8, %get3A_9] : memref<2x128xi32, #tpu.memory_space<smem>>
      %get3A_11 = arith.constant 1 : i32
      %get3A_12 = arith.index_cast %get3A_11 : i32 to index
      %get3A_13 = arith.index_cast %scan3A_6 : i32 to index
      %get3A_14 = memref.load %arg4[%get3A_12, %get3A_13] : memref<2x128xi32, #tpu.memory_space<smem>>
      %get3A_15 = arith.index_cast %get3A_14 : i32 to index
      %get3A_16 = arith.index_cast %get3A_10 : i32 to index
      %get3A_17 = memref.load %arg5[%get3A_15, %get3A_16] : memref<24x24xi32, #tpu.memory_space<smem>>
      %add3A = arith.constant 1 : i32
      %add3A_18 = arith.addi %get3A_17, %add3A : i32
      %swap3A = arith.index_cast %get3A_14 : i32 to index
      %swap3A_19 = arith.index_cast %get3A_10 : i32 to index
      %swap3A_20 = memref.load %arg5[%swap3A, %swap3A_19] : memref<24x24xi32, #tpu.memory_space<smem>>
      memref.store %add3A_18, %arg5[%swap3A, %swap3A_19] : memref<24x24xi32, #tpu.memory_space<smem>>
      %scan3A_21 = arith.constant 0 : i32
      scf.yield %scan3A_21 : i32
    }
    %scan3A_5 = arith.constant 128 : i32
    "tpu.region"() ({
      %run_scoped3A = tpu.sem_alloc : memref<!tpu.dma_semaphore, #tpu.memory_space<semaphore_mem>>
      tpu.enqueue_dma source(%arg5 : memref<24x24xi32, #tpu.memory_space<smem>>) target(%arg3 : memref<24x24xi32, #tpu.memory_space<hbm>>) target_semaphore(%run_scoped3A : memref<!tpu.dma_semaphore, #tpu.memory_space<semaphore_mem>>)
      tpu.wait_dma2 semaphore(%run_scoped3A : memref<!tpu.dma_semaphore, #tpu.memory_space<semaphore_mem>>) src(%arg5 : memref<24x24xi32, #tpu.memory_space<smem>>) dst(%arg3 : memref<24x24xi32, #tpu.memory_space<hbm>>)
      tpu.yield
    }) : () -> ()
    return
  }
}

module attributes {stable_mosaic.version = 14 : i64} {
  func.func @_dense_body(%arg0: memref<24x128xf32, #tpu.memory_space<vmem>>, %arg1: memref<24x24xi32, #tpu.memory_space<vmem>>, %arg2: memref<3x128x8xf32, #tpu.memory_space<vmem>>, %arg3: memref<8xf32, #tpu.memory_space<vmem>>, %arg4: memref<3x8x16xf32, #tpu.memory_space<vmem>>, %arg5: memref<16xf32, #tpu.memory_space<vmem>>, %arg6: memref<5x16x32xf32, #tpu.memory_space<vmem>>, %arg7: memref<32xf32, #tpu.memory_space<vmem>>, %arg8: memref<24x32x128xf32, #tpu.memory_space<vmem>>, %arg9: memref<128xf32, #tpu.memory_space<vmem>>, %arg10: memref<128x2xf32, #tpu.memory_space<vmem>>, %arg11: memref<2xf32, #tpu.memory_space<vmem>>, %arg12: memref<1x2xf32, #tpu.memory_space<vmem>>) attributes {dimension_semantics = [], scalar_prefetch = 0 : i64, scratch_operands = 0 : i64, tpu.core_type = #tpu.core_type<tc>} {
    %get3A = arith.constant 0 : index
    %get3A_0 = arith.constant 0 : index
    %get3A_1 = vector.load %arg1[%get3A, %get3A_0] : memref<24x24xi32, #tpu.memory_space<vmem>>, vector<24x24xi32>
    %convert_element_type3A = arith.sitofp %get3A_1 : vector<24x24xi32> to vector<24x24xf32>
    %broadcast_in_dim3A = arith.constant 1.000000e+00 : f32
    %broadcast_in_dim3A_2 = vector.broadcast %broadcast_in_dim3A : f32 to vector<1x24xf32>
    %dot_general3A = arith.constant dense<0.000000e+00> : vector<1x24xf32>
    %dot_general3A_3 = tpu.matmul %broadcast_in_dim3A_2, %convert_element_type3A, %dot_general3A {dimension_numbers = #tpu.dot_dimension_numbers<[1], [0], [0], [1], [0, 0, 1, 1], [], []>, precision = #tpu.contract_precision<fp32>, transpose_lhs_hint = false} : vector<1x24xf32>, vector<24x24xf32>, vector<1x24xf32> -> vector<1x24xf32>
    %gt3A = arith.constant 0.000000e+00 : f32
    %gt3A_4 = vector.broadcast %gt3A : f32 to vector<1x24xf32>
    %gt3A_5 = arith.cmpf ogt, %dot_general3A_3, %gt3A_4 : vector<1x24xf32>
    %jit3A = arith.constant 1.000000e+00 : f32
    %broadcast_in_dim3A_6 = vector.broadcast %jit3A : f32 to vector<1x24xf32>
    %select_n3A = arith.select %gt3A_5, %dot_general3A_3, %broadcast_in_dim3A_6 : vector<1x24xi1>, vector<1x24xf32>
    %gt3A_7 = arith.constant 0.000000e+00 : f32
    %gt3A_8 = vector.broadcast %gt3A_7 : f32 to vector<1x24xf32>
    %gt3A_9 = arith.cmpf ogt, %dot_general3A_3, %gt3A_8 : vector<1x24xf32>
    %sqrt3A = math.sqrt %select_n3A : vector<1x24xf32>
    %div3A = arith.constant 1.000000e+00 : f32
    %div3A_10 = vector.broadcast %div3A : f32 to vector<1x24xf32>
    %div3A_11 = arith.divf %div3A_10, %sqrt3A : vector<1x24xf32>
    %jit3A_12 = arith.constant 0.000000e+00 : f32
    %broadcast_in_dim3A_13 = vector.broadcast %jit3A_12 : f32 to vector<1x24xf32>
    %select_n3A_14 = arith.select %gt3A_9, %div3A_11, %broadcast_in_dim3A_13 : vector<1x24xi1>, vector<1x24xf32>
    %iota3A = tpu.iota {dimensions = array<i32: 0>} : vector<24x24xi32>
    %iota3A_15 = tpu.iota {dimensions = array<i32: 1>} : vector<24x24xi32>
    %eq3A = arith.cmpi eq, %iota3A, %iota3A_15 : vector<24x24xi32>
    %broadcast_in_dim3A_16 = vector.shape_cast %select_n3A_14 : vector<1x24xf32> to vector<1x24xf32>
    %broadcast_in_dim3A_17 = vector.broadcast %broadcast_in_dim3A_16 : vector<1x24xf32> to vector<24x24xf32>
    %jit3A_18 = arith.constant 0.000000e+00 : f32
    %broadcast_in_dim3A_19 = vector.broadcast %jit3A_18 : f32 to vector<24x24xf32>
    %select_n3A_20 = arith.select %eq3A, %broadcast_in_dim3A_17, %broadcast_in_dim3A_19 : vector<24x24xi1>, vector<24x24xf32>
    %dot_general3A_21 = arith.constant dense<0.000000e+00> : vector<24x24xf32>
    %dot_general3A_22 = tpu.matmul %select_n3A_20, %convert_element_type3A, %dot_general3A_21 {dimension_numbers = #tpu.dot_dimension_numbers<[1], [0], [0], [1], [0, 0, 1, 1], [], []>, precision = #tpu.contract_precision<fp32>, transpose_lhs_hint = false} : vector<24x24xf32>, vector<24x24xf32>, vector<24x24xf32> -> vector<24x24xf32>
    %dot_general3A_23 = arith.constant dense<0.000000e+00> : vector<24x24xf32>
    %dot_general3A_24 = tpu.matmul %dot_general3A_22, %select_n3A_20, %dot_general3A_23 {dimension_numbers = #tpu.dot_dimension_numbers<[1], [0], [0], [1], [0, 0, 1, 1], [], []>, precision = #tpu.contract_precision<fp32>, transpose_lhs_hint = false} : vector<24x24xf32>, vector<24x24xf32>, vector<24x24xf32> -> vector<24x24xf32>
    %neg3A = arith.constant 0.000000e+00 : f32
    %neg3A_25 = vector.broadcast %neg3A : f32 to vector<24x24xf32>
    %neg3A_26 = arith.subf %neg3A_25, %dot_general3A_24 : vector<24x24xf32>
    %broadcast_in_dim3A_27 = vector.shape_cast %dot_general3A_3 : vector<1x24xf32> to vector<1x24xf32>
    %broadcast_in_dim3A_28 = vector.broadcast %broadcast_in_dim3A_27 : vector<1x24xf32> to vector<24x24xf32>
    %eq3A_29 = arith.constant 0.000000e+00 : f32
    %eq3A_30 = vector.broadcast %eq3A_29 : f32 to vector<24x24xf32>
    %eq3A_31 = arith.cmpf oeq, %broadcast_in_dim3A_28, %eq3A_30 : vector<24x24xf32>
    %and3A = arith.andi %eq3A, %eq3A_31 : vector<24x24xi1>
    %sub3A = arith.constant 1.000000e+00 : f32
    %sub3A_32 = vector.broadcast %sub3A : f32 to vector<24x24xf32>
    %sub3A_33 = arith.subf %neg3A_26, %sub3A_32 : vector<24x24xf32>
    %select_n3A_34 = arith.select %and3A, %sub3A_33, %neg3A_26 : vector<24x24xi1>, vector<24x24xf32>
    %get3A_35 = arith.constant 0 : index
    %get3A_36 = arith.constant 0 : index
    %get3A_37 = vector.load %arg0[%get3A_35, %get3A_36] : memref<24x128xf32, #tpu.memory_space<vmem>>, vector<24x128xf32>
    %get3A_38 = arith.constant 0 : index
    %get3A_39 = arith.constant 0 : index
    %get3A_40 = arith.constant 0 : index
    %get3A_41 = vector.load %arg2[%get3A_38, %get3A_39, %get3A_40] : memref<3x128x8xf32, #tpu.memory_space<vmem>>, vector<1x128x8xf32>
    %get3A_42 = vector.shape_cast %get3A_41 : vector<1x128x8xf32> to vector<128x8xf32>
    %dot_general3A_43 = arith.constant dense<0.000000e+00> : vector<24x8xf32>
    %dot_general3A_44 = tpu.matmul %get3A_37, %get3A_42, %dot_general3A_43 {dimension_numbers = #tpu.dot_dimension_numbers<[1], [0], [0], [1], [0, 0, 1, 1], [], []>, transpose_lhs_hint = false} : vector<24x128xf32>, vector<128x8xf32>, vector<24x8xf32> -> vector<24x8xf32>
    %dot_general3A_45 = arith.constant dense<0.000000e+00> : vector<24x128xf32>
    %dot_general3A_46 = tpu.matmul %select_n3A_34, %get3A_37, %dot_general3A_45 {dimension_numbers = #tpu.dot_dimension_numbers<[1], [0], [0], [1], [0, 0, 1, 1], [], []>, precision = #tpu.contract_precision<fp32>, transpose_lhs_hint = false} : vector<24x24xf32>, vector<24x128xf32>, vector<24x128xf32> -> vector<24x128xf32>
    %get3A_47 = arith.constant 1 : index
    %get3A_48 = arith.constant 0 : index
    %get3A_49 = arith.constant 0 : index
    %get3A_50 = vector.load %arg2[%get3A_47, %get3A_48, %get3A_49] : memref<3x128x8xf32, #tpu.memory_space<vmem>>, vector<1x128x8xf32>
    %get3A_51 = vector.shape_cast %get3A_50 : vector<1x128x8xf32> to vector<128x8xf32>
    %dot_general3A_52 = arith.constant dense<0.000000e+00> : vector<24x8xf32>
    %dot_general3A_53 = tpu.matmul %dot_general3A_46, %get3A_51, %dot_general3A_52 {dimension_numbers = #tpu.dot_dimension_numbers<[1], [0], [0], [1], [0, 0, 1, 1], [], []>, transpose_lhs_hint = false} : vector<24x128xf32>, vector<128x8xf32>, vector<24x8xf32> -> vector<24x8xf32>
    %add3A = arith.addf %dot_general3A_44, %dot_general3A_53 : vector<24x8xf32>
    %dot_general3A_54 = arith.constant dense<0.000000e+00> : vector<24x128xf32>
    %dot_general3A_55 = tpu.matmul %select_n3A_34, %dot_general3A_46, %dot_general3A_54 {dimension_numbers = #tpu.dot_dimension_numbers<[1], [0], [0], [1], [0, 0, 1, 1], [], []>, precision = #tpu.contract_precision<fp32>, transpose_lhs_hint = false} : vector<24x24xf32>, vector<24x128xf32>, vector<24x128xf32> -> vector<24x128xf32>
    %mul3A = arith.constant 2.000000e+00 : f32
    %mul3A_56 = vector.broadcast %mul3A : f32 to vector<24x128xf32>
    %mul3A_57 = arith.mulf %mul3A_56, %dot_general3A_55 : vector<24x128xf32>
    %sub3A_58 = arith.subf %mul3A_57, %get3A_37 : vector<24x128xf32>
    %get3A_59 = arith.constant 2 : index
    %get3A_60 = arith.constant 0 : index
    %get3A_61 = arith.constant 0 : index
    %get3A_62 = vector.load %arg2[%get3A_59, %get3A_60, %get3A_61] : memref<3x128x8xf32, #tpu.memory_space<vmem>>, vector<1x128x8xf32>
    %get3A_63 = vector.shape_cast %get3A_62 : vector<1x128x8xf32> to vector<128x8xf32>
    %dot_general3A_64 = arith.constant dense<0.000000e+00> : vector<24x8xf32>
    %dot_general3A_65 = tpu.matmul %sub3A_58, %get3A_63, %dot_general3A_64 {dimension_numbers = #tpu.dot_dimension_numbers<[1], [0], [0], [1], [0, 0, 1, 1], [], []>, transpose_lhs_hint = false} : vector<24x128xf32>, vector<128x8xf32>, vector<24x8xf32> -> vector<24x8xf32>
    %add3A_66 = arith.addf %add3A, %dot_general3A_65 : vector<24x8xf32>
    %get3A_67 = arith.constant 0 : index
    %get3A_68 = vector.load %arg3[%get3A_67] : memref<8xf32, #tpu.memory_space<vmem>>, vector<8xf32>
    %reshape3A = vector.shape_cast %get3A_68 : vector<8xf32> to vector<1x8xf32>
    %add3A_69 = vector.broadcast %reshape3A : vector<1x8xf32> to vector<24x8xf32>
    %add3A_70 = arith.addf %add3A_66, %add3A_69 : vector<24x8xf32>
    %gt3A_71 = arith.constant 0.000000e+00 : f32
    %gt3A_72 = vector.broadcast %gt3A_71 : f32 to vector<24x8xf32>
    %gt3A_73 = arith.cmpf ogt, %add3A_70, %gt3A_72 : vector<24x8xf32>
    %min3A = arith.constant 0.000000e+00 : f32
    %min3A_74 = vector.broadcast %min3A : f32 to vector<24x8xf32>
    %min3A_75 = arith.minimumf %add3A_70, %min3A_74 : vector<24x8xf32>
    %exp3A = math.exp %min3A_75 : vector<24x8xf32>
    %sub3A_76 = arith.constant 1.000000e+00 : f32
    %sub3A_77 = vector.broadcast %sub3A_76 : f32 to vector<24x8xf32>
    %sub3A_78 = arith.subf %exp3A, %sub3A_77 : vector<24x8xf32>
    %select_n3A_79 = arith.select %gt3A_73, %add3A_70, %sub3A_78 : vector<24x8xi1>, vector<24x8xf32>
    %get3A_80 = arith.constant 0 : index
    %get3A_81 = arith.constant 0 : index
    %get3A_82 = arith.constant 0 : index
    %get3A_83 = vector.load %arg4[%get3A_80, %get3A_81, %get3A_82] : memref<3x8x16xf32, #tpu.memory_space<vmem>>, vector<1x8x16xf32>
    %get3A_84 = vector.shape_cast %get3A_83 : vector<1x8x16xf32> to vector<8x16xf32>
    %dot_general3A_85 = arith.constant dense<0.000000e+00> : vector<24x16xf32>
    %dot_general3A_86 = tpu.matmul %select_n3A_79, %get3A_84, %dot_general3A_85 {dimension_numbers = #tpu.dot_dimension_numbers<[1], [0], [0], [1], [0, 0, 1, 1], [], []>, transpose_lhs_hint = false} : vector<24x8xf32>, vector<8x16xf32>, vector<24x16xf32> -> vector<24x16xf32>
    %dot_general3A_87 = arith.constant dense<0.000000e+00> : vector<24x8xf32>
    %dot_general3A_88 = tpu.matmul %select_n3A_34, %select_n3A_79, %dot_general3A_87 {dimension_numbers = #tpu.dot_dimension_numbers<[1], [0], [0], [1], [0, 0, 1, 1], [], []>, precision = #tpu.contract_precision<fp32>, transpose_lhs_hint = false} : vector<24x24xf32>, vector<24x8xf32>, vector<24x8xf32> -> vector<24x8xf32>
    %get3A_89 = arith.constant 1 : index
    %get3A_90 = arith.constant 0 : index
    %get3A_91 = arith.constant 0 : index
    %get3A_92 = vector.load %arg4[%get3A_89, %get3A_90, %get3A_91] : memref<3x8x16xf32, #tpu.memory_space<vmem>>, vector<1x8x16xf32>
    %get3A_93 = vector.shape_cast %get3A_92 : vector<1x8x16xf32> to vector<8x16xf32>
    %dot_general3A_94 = arith.constant dense<0.000000e+00> : vector<24x16xf32>
    %dot_general3A_95 = tpu.matmul %dot_general3A_88, %get3A_93, %dot_general3A_94 {dimension_numbers = #tpu.dot_dimension_numbers<[1], [0], [0], [1], [0, 0, 1, 1], [], []>, transpose_lhs_hint = false} : vector<24x8xf32>, vector<8x16xf32>, vector<24x16xf32> -> vector<24x16xf32>
    %add3A_96 = arith.addf %dot_general3A_86, %dot_general3A_95 : vector<24x16xf32>
    %dot_general3A_97 = arith.constant dense<0.000000e+00> : vector<24x8xf32>
    %dot_general3A_98 = tpu.matmul %select_n3A_34, %dot_general3A_88, %dot_general3A_97 {dimension_numbers = #tpu.dot_dimension_numbers<[1], [0], [0], [1], [0, 0, 1, 1], [], []>, precision = #tpu.contract_precision<fp32>, transpose_lhs_hint = false} : vector<24x24xf32>, vector<24x8xf32>, vector<24x8xf32> -> vector<24x8xf32>
    %mul3A_99 = arith.constant 2.000000e+00 : f32
    %mul3A_100 = vector.broadcast %mul3A_99 : f32 to vector<24x8xf32>
    %mul3A_101 = arith.mulf %mul3A_100, %dot_general3A_98 : vector<24x8xf32>
    %sub3A_102 = arith.subf %mul3A_101, %select_n3A_79 : vector<24x8xf32>
    %get3A_103 = arith.constant 2 : index
    %get3A_104 = arith.constant 0 : index
    %get3A_105 = arith.constant 0 : index
    %get3A_106 = vector.load %arg4[%get3A_103, %get3A_104, %get3A_105] : memref<3x8x16xf32, #tpu.memory_space<vmem>>, vector<1x8x16xf32>
    %get3A_107 = vector.shape_cast %get3A_106 : vector<1x8x16xf32> to vector<8x16xf32>
    %dot_general3A_108 = arith.constant dense<0.000000e+00> : vector<24x16xf32>
    %dot_general3A_109 = tpu.matmul %sub3A_102, %get3A_107, %dot_general3A_108 {dimension_numbers = #tpu.dot_dimension_numbers<[1], [0], [0], [1], [0, 0, 1, 1], [], []>, transpose_lhs_hint = false} : vector<24x8xf32>, vector<8x16xf32>, vector<24x16xf32> -> vector<24x16xf32>
    %add3A_110 = arith.addf %add3A_96, %dot_general3A_109 : vector<24x16xf32>
    %get3A_111 = arith.constant 0 : index
    %get3A_112 = vector.load %arg5[%get3A_111] : memref<16xf32, #tpu.memory_space<vmem>>, vector<16xf32>
    %reshape3A_113 = vector.shape_cast %get3A_112 : vector<16xf32> to vector<1x16xf32>
    %add3A_114 = vector.broadcast %reshape3A_113 : vector<1x16xf32> to vector<24x16xf32>
    %add3A_115 = arith.addf %add3A_110, %add3A_114 : vector<24x16xf32>
    %gt3A_116 = arith.constant 0.000000e+00 : f32
    %gt3A_117 = vector.broadcast %gt3A_116 : f32 to vector<24x16xf32>
    %gt3A_118 = arith.cmpf ogt, %add3A_115, %gt3A_117 : vector<24x16xf32>
    %min3A_119 = arith.constant 0.000000e+00 : f32
    %min3A_120 = vector.broadcast %min3A_119 : f32 to vector<24x16xf32>
    %min3A_121 = arith.minimumf %add3A_115, %min3A_120 : vector<24x16xf32>
    %exp3A_122 = math.exp %min3A_121 : vector<24x16xf32>
    %sub3A_123 = arith.constant 1.000000e+00 : f32
    %sub3A_124 = vector.broadcast %sub3A_123 : f32 to vector<24x16xf32>
    %sub3A_125 = arith.subf %exp3A_122, %sub3A_124 : vector<24x16xf32>
    %select_n3A_126 = arith.select %gt3A_118, %add3A_115, %sub3A_125 : vector<24x16xi1>, vector<24x16xf32>
    %get3A_127 = arith.constant 0 : index
    %get3A_128 = arith.constant 0 : index
    %get3A_129 = arith.constant 0 : index
    %get3A_130 = vector.load %arg6[%get3A_127, %get3A_128, %get3A_129] : memref<5x16x32xf32, #tpu.memory_space<vmem>>, vector<1x16x32xf32>
    %get3A_131 = vector.shape_cast %get3A_130 : vector<1x16x32xf32> to vector<16x32xf32>
    %dot_general3A_132 = arith.constant dense<0.000000e+00> : vector<24x32xf32>
    %dot_general3A_133 = tpu.matmul %select_n3A_126, %get3A_131, %dot_general3A_132 {dimension_numbers = #tpu.dot_dimension_numbers<[1], [0], [0], [1], [0, 0, 1, 1], [], []>, transpose_lhs_hint = false} : vector<24x16xf32>, vector<16x32xf32>, vector<24x32xf32> -> vector<24x32xf32>
    %dot_general3A_134 = arith.constant dense<0.000000e+00> : vector<24x16xf32>
    %dot_general3A_135 = tpu.matmul %select_n3A_34, %select_n3A_126, %dot_general3A_134 {dimension_numbers = #tpu.dot_dimension_numbers<[1], [0], [0], [1], [0, 0, 1, 1], [], []>, precision = #tpu.contract_precision<fp32>, transpose_lhs_hint = false} : vector<24x24xf32>, vector<24x16xf32>, vector<24x16xf32> -> vector<24x16xf32>
    %get3A_136 = arith.constant 1 : index
    %get3A_137 = arith.constant 0 : index
    %get3A_138 = arith.constant 0 : index
    %get3A_139 = vector.load %arg6[%get3A_136, %get3A_137, %get3A_138] : memref<5x16x32xf32, #tpu.memory_space<vmem>>, vector<1x16x32xf32>
    %get3A_140 = vector.shape_cast %get3A_139 : vector<1x16x32xf32> to vector<16x32xf32>
    %dot_general3A_141 = arith.constant dense<0.000000e+00> : vector<24x32xf32>
    %dot_general3A_142 = tpu.matmul %dot_general3A_135, %get3A_140, %dot_general3A_141 {dimension_numbers = #tpu.dot_dimension_numbers<[1], [0], [0], [1], [0, 0, 1, 1], [], []>, transpose_lhs_hint = false} : vector<24x16xf32>, vector<16x32xf32>, vector<24x32xf32> -> vector<24x32xf32>
    %add3A_143 = arith.addf %dot_general3A_133, %dot_general3A_142 : vector<24x32xf32>
    %dot_general3A_144 = arith.constant dense<0.000000e+00> : vector<24x16xf32>
    %dot_general3A_145 = tpu.matmul %select_n3A_34, %dot_general3A_135, %dot_general3A_144 {dimension_numbers = #tpu.dot_dimension_numbers<[1], [0], [0], [1], [0, 0, 1, 1], [], []>, precision = #tpu.contract_precision<fp32>, transpose_lhs_hint = false} : vector<24x24xf32>, vector<24x16xf32>, vector<24x16xf32> -> vector<24x16xf32>
    %mul3A_146 = arith.constant 2.000000e+00 : f32
    %mul3A_147 = vector.broadcast %mul3A_146 : f32 to vector<24x16xf32>
    %mul3A_148 = arith.mulf %mul3A_147, %dot_general3A_145 : vector<24x16xf32>
    %sub3A_149 = arith.subf %mul3A_148, %select_n3A_126 : vector<24x16xf32>
    %get3A_150 = arith.constant 2 : index
    %get3A_151 = arith.constant 0 : index
    %get3A_152 = arith.constant 0 : index
    %get3A_153 = vector.load %arg6[%get3A_150, %get3A_151, %get3A_152] : memref<5x16x32xf32, #tpu.memory_space<vmem>>, vector<1x16x32xf32>
    %get3A_154 = vector.shape_cast %get3A_153 : vector<1x16x32xf32> to vector<16x32xf32>
    %dot_general3A_155 = arith.constant dense<0.000000e+00> : vector<24x32xf32>
    %dot_general3A_156 = tpu.matmul %sub3A_149, %get3A_154, %dot_general3A_155 {dimension_numbers = #tpu.dot_dimension_numbers<[1], [0], [0], [1], [0, 0, 1, 1], [], []>, transpose_lhs_hint = false} : vector<24x16xf32>, vector<16x32xf32>, vector<24x32xf32> -> vector<24x32xf32>
    %add3A_157 = arith.addf %add3A_143, %dot_general3A_156 : vector<24x32xf32>
    %dot_general3A_158 = arith.constant dense<0.000000e+00> : vector<24x16xf32>
    %dot_general3A_159 = tpu.matmul %select_n3A_34, %sub3A_149, %dot_general3A_158 {dimension_numbers = #tpu.dot_dimension_numbers<[1], [0], [0], [1], [0, 0, 1, 1], [], []>, precision = #tpu.contract_precision<fp32>, transpose_lhs_hint = false} : vector<24x24xf32>, vector<24x16xf32>, vector<24x16xf32> -> vector<24x16xf32>
    %mul3A_160 = arith.constant 2.000000e+00 : f32
    %mul3A_161 = vector.broadcast %mul3A_160 : f32 to vector<24x16xf32>
    %mul3A_162 = arith.mulf %mul3A_161, %dot_general3A_159 : vector<24x16xf32>
    %sub3A_163 = arith.subf %mul3A_162, %dot_general3A_135 : vector<24x16xf32>
    %get3A_164 = arith.constant 3 : index
    %get3A_165 = arith.constant 0 : index
    %get3A_166 = arith.constant 0 : index
    %get3A_167 = vector.load %arg6[%get3A_164, %get3A_165, %get3A_166] : memref<5x16x32xf32, #tpu.memory_space<vmem>>, vector<1x16x32xf32>
    %get3A_168 = vector.shape_cast %get3A_167 : vector<1x16x32xf32> to vector<16x32xf32>
    %dot_general3A_169 = arith.constant dense<0.000000e+00> : vector<24x32xf32>
    %dot_general3A_170 = tpu.matmul %sub3A_163, %get3A_168, %dot_general3A_169 {dimension_numbers = #tpu.dot_dimension_numbers<[1], [0], [0], [1], [0, 0, 1, 1], [], []>, transpose_lhs_hint = false} : vector<24x16xf32>, vector<16x32xf32>, vector<24x32xf32> -> vector<24x32xf32>
    %add3A_171 = arith.addf %add3A_157, %dot_general3A_170 : vector<24x32xf32>
    %dot_general3A_172 = arith.constant dense<0.000000e+00> : vector<24x16xf32>
    %dot_general3A_173 = tpu.matmul %select_n3A_34, %sub3A_163, %dot_general3A_172 {dimension_numbers = #tpu.dot_dimension_numbers<[1], [0], [0], [1], [0, 0, 1, 1], [], []>, precision = #tpu.contract_precision<fp32>, transpose_lhs_hint = false} : vector<24x24xf32>, vector<24x16xf32>, vector<24x16xf32> -> vector<24x16xf32>
    %mul3A_174 = arith.constant 2.000000e+00 : f32
    %mul3A_175 = vector.broadcast %mul3A_174 : f32 to vector<24x16xf32>
    %mul3A_176 = arith.mulf %mul3A_175, %dot_general3A_173 : vector<24x16xf32>
    %sub3A_177 = arith.subf %mul3A_176, %sub3A_149 : vector<24x16xf32>
    %get3A_178 = arith.constant 4 : index
    %get3A_179 = arith.constant 0 : index
    %get3A_180 = arith.constant 0 : index
    %get3A_181 = vector.load %arg6[%get3A_178, %get3A_179, %get3A_180] : memref<5x16x32xf32, #tpu.memory_space<vmem>>, vector<1x16x32xf32>
    %get3A_182 = vector.shape_cast %get3A_181 : vector<1x16x32xf32> to vector<16x32xf32>
    %dot_general3A_183 = arith.constant dense<0.000000e+00> : vector<24x32xf32>
    %dot_general3A_184 = tpu.matmul %sub3A_177, %get3A_182, %dot_general3A_183 {dimension_numbers = #tpu.dot_dimension_numbers<[1], [0], [0], [1], [0, 0, 1, 1], [], []>, transpose_lhs_hint = false} : vector<24x16xf32>, vector<16x32xf32>, vector<24x32xf32> -> vector<24x32xf32>
    %add3A_185 = arith.addf %add3A_171, %dot_general3A_184 : vector<24x32xf32>
    %get3A_186 = arith.constant 0 : index
    %get3A_187 = vector.load %arg7[%get3A_186] : memref<32xf32, #tpu.memory_space<vmem>>, vector<32xf32>
    %reshape3A_188 = vector.shape_cast %get3A_187 : vector<32xf32> to vector<1x32xf32>
    %add3A_189 = vector.broadcast %reshape3A_188 : vector<1x32xf32> to vector<24x32xf32>
    %add3A_190 = arith.addf %add3A_185, %add3A_189 : vector<24x32xf32>
    %gt3A_191 = arith.constant 0.000000e+00 : f32
    %gt3A_192 = vector.broadcast %gt3A_191 : f32 to vector<24x32xf32>
    %gt3A_193 = arith.cmpf ogt, %add3A_190, %gt3A_192 : vector<24x32xf32>
    %min3A_194 = arith.constant 0.000000e+00 : f32
    %min3A_195 = vector.broadcast %min3A_194 : f32 to vector<24x32xf32>
    %min3A_196 = arith.minimumf %add3A_190, %min3A_195 : vector<24x32xf32>
    %exp3A_197 = math.exp %min3A_196 : vector<24x32xf32>
    %sub3A_198 = arith.constant 1.000000e+00 : f32
    %sub3A_199 = vector.broadcast %sub3A_198 : f32 to vector<24x32xf32>
    %sub3A_200 = arith.subf %exp3A_197, %sub3A_199 : vector<24x32xf32>
    %select_n3A_201 = arith.select %gt3A_193, %add3A_190, %sub3A_200 : vector<24x32xi1>, vector<24x32xf32>
    %get3A_202 = arith.constant 0 : index
    %get3A_203 = vector.load %arg9[%get3A_202] : memref<128xf32, #tpu.memory_space<vmem>>, vector<128xf32>
    %reshape3A_204 = vector.shape_cast %get3A_203 : vector<128xf32> to vector<1x128xf32>
    %broadcast_in_dim3A_205 = arith.constant 0.000000e+00 : f32
    %broadcast_in_dim3A_206 = vector.broadcast %broadcast_in_dim3A_205 : f32 to vector<1x128xf32>
    %broadcast_in_dim3A_207 = arith.constant 0.000000e+00 : f32
    %broadcast_in_dim3A_208 = vector.broadcast %broadcast_in_dim3A_207 : f32 to vector<1x128xf32>
    %broadcast_in_dim3A_209 = arith.constant 0.000000e+00 : f32
    %broadcast_in_dim3A_210 = vector.broadcast %broadcast_in_dim3A_209 : f32 to vector<1x128xf32>
    %slice3A = vector.extract_strided_slice %select_n3A_201 {offsets = [0, 0], sizes = [1, 32], strides = [1, 1]} : vector<24x32xf32> to vector<1x32xf32>
    %get3A_211 = arith.constant 0 : index
    %get3A_212 = arith.constant 0 : index
    %get3A_213 = arith.constant 0 : index
    %get3A_214 = vector.load %arg8[%get3A_211, %get3A_212, %get3A_213] : memref<24x32x128xf32, #tpu.memory_space<vmem>>, vector<1x32x128xf32>
    %get3A_215 = vector.shape_cast %get3A_214 : vector<1x32x128xf32> to vector<32x128xf32>
    %dot_general3A_216 = arith.constant dense<0.000000e+00> : vector<1x128xf32>
    %dot_general3A_217 = tpu.matmul %slice3A, %get3A_215, %dot_general3A_216 {dimension_numbers = #tpu.dot_dimension_numbers<[1], [0], [0], [1], [0, 0, 1, 1], [], []>, transpose_lhs_hint = false} : vector<1x32xf32>, vector<32x128xf32>, vector<1x128xf32> -> vector<1x128xf32>
    %add3A_218 = arith.addf %reshape3A_204, %dot_general3A_217 : vector<1x128xf32>
    %slice3A_219 = vector.extract_strided_slice %select_n3A_201 {offsets = [1, 0], sizes = [1, 32], strides = [1, 1]} : vector<24x32xf32> to vector<1x32xf32>
    %get3A_220 = arith.constant 1 : index
    %get3A_221 = arith.constant 0 : index
    %get3A_222 = arith.constant 0 : index
    %get3A_223 = vector.load %arg8[%get3A_220, %get3A_221, %get3A_222] : memref<24x32x128xf32, #tpu.memory_space<vmem>>, vector<1x32x128xf32>
    %get3A_224 = vector.shape_cast %get3A_223 : vector<1x32x128xf32> to vector<32x128xf32>
    %dot_general3A_225 = arith.constant dense<0.000000e+00> : vector<1x128xf32>
    %dot_general3A_226 = tpu.matmul %slice3A_219, %get3A_224, %dot_general3A_225 {dimension_numbers = #tpu.dot_dimension_numbers<[1], [0], [0], [1], [0, 0, 1, 1], [], []>, transpose_lhs_hint = false} : vector<1x32xf32>, vector<32x128xf32>, vector<1x128xf32> -> vector<1x128xf32>
    %add3A_227 = arith.addf %broadcast_in_dim3A_206, %dot_general3A_226 : vector<1x128xf32>
    %slice3A_228 = vector.extract_strided_slice %select_n3A_201 {offsets = [2, 0], sizes = [1, 32], strides = [1, 1]} : vector<24x32xf32> to vector<1x32xf32>
    %get3A_229 = arith.constant 2 : index
    %get3A_230 = arith.constant 0 : index
    %get3A_231 = arith.constant 0 : index
    %get3A_232 = vector.load %arg8[%get3A_229, %get3A_230, %get3A_231] : memref<24x32x128xf32, #tpu.memory_space<vmem>>, vector<1x32x128xf32>
    %get3A_233 = vector.shape_cast %get3A_232 : vector<1x32x128xf32> to vector<32x128xf32>
    %dot_general3A_234 = arith.constant dense<0.000000e+00> : vector<1x128xf32>
    %dot_general3A_235 = tpu.matmul %slice3A_228, %get3A_233, %dot_general3A_234 {dimension_numbers = #tpu.dot_dimension_numbers<[1], [0], [0], [1], [0, 0, 1, 1], [], []>, transpose_lhs_hint = false} : vector<1x32xf32>, vector<32x128xf32>, vector<1x128xf32> -> vector<1x128xf32>
    %add3A_236 = arith.addf %broadcast_in_dim3A_208, %dot_general3A_235 : vector<1x128xf32>
    %slice3A_237 = vector.extract_strided_slice %select_n3A_201 {offsets = [3, 0], sizes = [1, 32], strides = [1, 1]} : vector<24x32xf32> to vector<1x32xf32>
    %get3A_238 = arith.constant 3 : index
    %get3A_239 = arith.constant 0 : index
    %get3A_240 = arith.constant 0 : index
    %get3A_241 = vector.load %arg8[%get3A_238, %get3A_239, %get3A_240] : memref<24x32x128xf32, #tpu.memory_space<vmem>>, vector<1x32x128xf32>
    %get3A_242 = vector.shape_cast %get3A_241 : vector<1x32x128xf32> to vector<32x128xf32>
    %dot_general3A_243 = arith.constant dense<0.000000e+00> : vector<1x128xf32>
    %dot_general3A_244 = tpu.matmul %slice3A_237, %get3A_242, %dot_general3A_243 {dimension_numbers = #tpu.dot_dimension_numbers<[1], [0], [0], [1], [0, 0, 1, 1], [], []>, transpose_lhs_hint = false} : vector<1x32xf32>, vector<32x128xf32>, vector<1x128xf32> -> vector<1x128xf32>
    %add3A_245 = arith.addf %broadcast_in_dim3A_210, %dot_general3A_244 : vector<1x128xf32>
    %slice3A_246 = vector.extract_strided_slice %select_n3A_201 {offsets = [4, 0], sizes = [1, 32], strides = [1, 1]} : vector<24x32xf32> to vector<1x32xf32>
    %get3A_247 = arith.constant 4 : index
    %get3A_248 = arith.constant 0 : index
    %get3A_249 = arith.constant 0 : index
    %get3A_250 = vector.load %arg8[%get3A_247, %get3A_248, %get3A_249] : memref<24x32x128xf32, #tpu.memory_space<vmem>>, vector<1x32x128xf32>
    %get3A_251 = vector.shape_cast %get3A_250 : vector<1x32x128xf32> to vector<32x128xf32>
    %dot_general3A_252 = arith.constant dense<0.000000e+00> : vector<1x128xf32>
    %dot_general3A_253 = tpu.matmul %slice3A_246, %get3A_251, %dot_general3A_252 {dimension_numbers = #tpu.dot_dimension_numbers<[1], [0], [0], [1], [0, 0, 1, 1], [], []>, transpose_lhs_hint = false} : vector<1x32xf32>, vector<32x128xf32>, vector<1x128xf32> -> vector<1x128xf32>
    %add3A_254 = arith.addf %add3A_218, %dot_general3A_253 : vector<1x128xf32>
    %slice3A_255 = vector.extract_strided_slice %select_n3A_201 {offsets = [5, 0], sizes = [1, 32], strides = [1, 1]} : vector<24x32xf32> to vector<1x32xf32>
    %get3A_256 = arith.constant 5 : index
    %get3A_257 = arith.constant 0 : index
    %get3A_258 = arith.constant 0 : index
    %get3A_259 = vector.load %arg8[%get3A_256, %get3A_257, %get3A_258] : memref<24x32x128xf32, #tpu.memory_space<vmem>>, vector<1x32x128xf32>
    %get3A_260 = vector.shape_cast %get3A_259 : vector<1x32x128xf32> to vector<32x128xf32>
    %dot_general3A_261 = arith.constant dense<0.000000e+00> : vector<1x128xf32>
    %dot_general3A_262 = tpu.matmul %slice3A_255, %get3A_260, %dot_general3A_261 {dimension_numbers = #tpu.dot_dimension_numbers<[1], [0], [0], [1], [0, 0, 1, 1], [], []>, transpose_lhs_hint = false} : vector<1x32xf32>, vector<32x128xf32>, vector<1x128xf32> -> vector<1x128xf32>
    %add3A_263 = arith.addf %add3A_227, %dot_general3A_262 : vector<1x128xf32>
    %slice3A_264 = vector.extract_strided_slice %select_n3A_201 {offsets = [6, 0], sizes = [1, 32], strides = [1, 1]} : vector<24x32xf32> to vector<1x32xf32>
    %get3A_265 = arith.constant 6 : index
    %get3A_266 = arith.constant 0 : index
    %get3A_267 = arith.constant 0 : index
    %get3A_268 = vector.load %arg8[%get3A_265, %get3A_266, %get3A_267] : memref<24x32x128xf32, #tpu.memory_space<vmem>>, vector<1x32x128xf32>
    %get3A_269 = vector.shape_cast %get3A_268 : vector<1x32x128xf32> to vector<32x128xf32>
    %dot_general3A_270 = arith.constant dense<0.000000e+00> : vector<1x128xf32>
    %dot_general3A_271 = tpu.matmul %slice3A_264, %get3A_269, %dot_general3A_270 {dimension_numbers = #tpu.dot_dimension_numbers<[1], [0], [0], [1], [0, 0, 1, 1], [], []>, transpose_lhs_hint = false} : vector<1x32xf32>, vector<32x128xf32>, vector<1x128xf32> -> vector<1x128xf32>
    %add3A_272 = arith.addf %add3A_236, %dot_general3A_271 : vector<1x128xf32>
    %slice3A_273 = vector.extract_strided_slice %select_n3A_201 {offsets = [7, 0], sizes = [1, 32], strides = [1, 1]} : vector<24x32xf32> to vector<1x32xf32>
    %get3A_274 = arith.constant 7 : index
    %get3A_275 = arith.constant 0 : index
    %get3A_276 = arith.constant 0 : index
    %get3A_277 = vector.load %arg8[%get3A_274, %get3A_275, %get3A_276] : memref<24x32x128xf32, #tpu.memory_space<vmem>>, vector<1x32x128xf32>
    %get3A_278 = vector.shape_cast %get3A_277 : vector<1x32x128xf32> to vector<32x128xf32>
    %dot_general3A_279 = arith.constant dense<0.000000e+00> : vector<1x128xf32>
    %dot_general3A_280 = tpu.matmul %slice3A_273, %get3A_278, %dot_general3A_279 {dimension_numbers = #tpu.dot_dimension_numbers<[1], [0], [0], [1], [0, 0, 1, 1], [], []>, transpose_lhs_hint = false} : vector<1x32xf32>, vector<32x128xf32>, vector<1x128xf32> -> vector<1x128xf32>
    %add3A_281 = arith.addf %add3A_245, %dot_general3A_280 : vector<1x128xf32>
    %slice3A_282 = vector.extract_strided_slice %select_n3A_201 {offsets = [8, 0], sizes = [1, 32], strides = [1, 1]} : vector<24x32xf32> to vector<1x32xf32>
    %get3A_283 = arith.constant 8 : index
    %get3A_284 = arith.constant 0 : index
    %get3A_285 = arith.constant 0 : index
    %get3A_286 = vector.load %arg8[%get3A_283, %get3A_284, %get3A_285] : memref<24x32x128xf32, #tpu.memory_space<vmem>>, vector<1x32x128xf32>
    %get3A_287 = vector.shape_cast %get3A_286 : vector<1x32x128xf32> to vector<32x128xf32>
    %dot_general3A_288 = arith.constant dense<0.000000e+00> : vector<1x128xf32>
    %dot_general3A_289 = tpu.matmul %slice3A_282, %get3A_287, %dot_general3A_288 {dimension_numbers = #tpu.dot_dimension_numbers<[1], [0], [0], [1], [0, 0, 1, 1], [], []>, transpose_lhs_hint = false} : vector<1x32xf32>, vector<32x128xf32>, vector<1x128xf32> -> vector<1x128xf32>
    %add3A_290 = arith.addf %add3A_254, %dot_general3A_289 : vector<1x128xf32>
    %slice3A_291 = vector.extract_strided_slice %select_n3A_201 {offsets = [9, 0], sizes = [1, 32], strides = [1, 1]} : vector<24x32xf32> to vector<1x32xf32>
    %get3A_292 = arith.constant 9 : index
    %get3A_293 = arith.constant 0 : index
    %get3A_294 = arith.constant 0 : index
    %get3A_295 = vector.load %arg8[%get3A_292, %get3A_293, %get3A_294] : memref<24x32x128xf32, #tpu.memory_space<vmem>>, vector<1x32x128xf32>
    %get3A_296 = vector.shape_cast %get3A_295 : vector<1x32x128xf32> to vector<32x128xf32>
    %dot_general3A_297 = arith.constant dense<0.000000e+00> : vector<1x128xf32>
    %dot_general3A_298 = tpu.matmul %slice3A_291, %get3A_296, %dot_general3A_297 {dimension_numbers = #tpu.dot_dimension_numbers<[1], [0], [0], [1], [0, 0, 1, 1], [], []>, transpose_lhs_hint = false} : vector<1x32xf32>, vector<32x128xf32>, vector<1x128xf32> -> vector<1x128xf32>
    %add3A_299 = arith.addf %add3A_263, %dot_general3A_298 : vector<1x128xf32>
    %slice3A_300 = vector.extract_strided_slice %select_n3A_201 {offsets = [10, 0], sizes = [1, 32], strides = [1, 1]} : vector<24x32xf32> to vector<1x32xf32>
    %get3A_301 = arith.constant 10 : index
    %get3A_302 = arith.constant 0 : index
    %get3A_303 = arith.constant 0 : index
    %get3A_304 = vector.load %arg8[%get3A_301, %get3A_302, %get3A_303] : memref<24x32x128xf32, #tpu.memory_space<vmem>>, vector<1x32x128xf32>
    %get3A_305 = vector.shape_cast %get3A_304 : vector<1x32x128xf32> to vector<32x128xf32>
    %dot_general3A_306 = arith.constant dense<0.000000e+00> : vector<1x128xf32>
    %dot_general3A_307 = tpu.matmul %slice3A_300, %get3A_305, %dot_general3A_306 {dimension_numbers = #tpu.dot_dimension_numbers<[1], [0], [0], [1], [0, 0, 1, 1], [], []>, transpose_lhs_hint = false} : vector<1x32xf32>, vector<32x128xf32>, vector<1x128xf32> -> vector<1x128xf32>
    %add3A_308 = arith.addf %add3A_272, %dot_general3A_307 : vector<1x128xf32>
    %slice3A_309 = vector.extract_strided_slice %select_n3A_201 {offsets = [11, 0], sizes = [1, 32], strides = [1, 1]} : vector<24x32xf32> to vector<1x32xf32>
    %get3A_310 = arith.constant 11 : index
    %get3A_311 = arith.constant 0 : index
    %get3A_312 = arith.constant 0 : index
    %get3A_313 = vector.load %arg8[%get3A_310, %get3A_311, %get3A_312] : memref<24x32x128xf32, #tpu.memory_space<vmem>>, vector<1x32x128xf32>
    %get3A_314 = vector.shape_cast %get3A_313 : vector<1x32x128xf32> to vector<32x128xf32>
    %dot_general3A_315 = arith.constant dense<0.000000e+00> : vector<1x128xf32>
    %dot_general3A_316 = tpu.matmul %slice3A_309, %get3A_314, %dot_general3A_315 {dimension_numbers = #tpu.dot_dimension_numbers<[1], [0], [0], [1], [0, 0, 1, 1], [], []>, transpose_lhs_hint = false} : vector<1x32xf32>, vector<32x128xf32>, vector<1x128xf32> -> vector<1x128xf32>
    %add3A_317 = arith.addf %add3A_281, %dot_general3A_316 : vector<1x128xf32>
    %slice3A_318 = vector.extract_strided_slice %select_n3A_201 {offsets = [12, 0], sizes = [1, 32], strides = [1, 1]} : vector<24x32xf32> to vector<1x32xf32>
    %get3A_319 = arith.constant 12 : index
    %get3A_320 = arith.constant 0 : index
    %get3A_321 = arith.constant 0 : index
    %get3A_322 = vector.load %arg8[%get3A_319, %get3A_320, %get3A_321] : memref<24x32x128xf32, #tpu.memory_space<vmem>>, vector<1x32x128xf32>
    %get3A_323 = vector.shape_cast %get3A_322 : vector<1x32x128xf32> to vector<32x128xf32>
    %dot_general3A_324 = arith.constant dense<0.000000e+00> : vector<1x128xf32>
    %dot_general3A_325 = tpu.matmul %slice3A_318, %get3A_323, %dot_general3A_324 {dimension_numbers = #tpu.dot_dimension_numbers<[1], [0], [0], [1], [0, 0, 1, 1], [], []>, transpose_lhs_hint = false} : vector<1x32xf32>, vector<32x128xf32>, vector<1x128xf32> -> vector<1x128xf32>
    %add3A_326 = arith.addf %add3A_290, %dot_general3A_325 : vector<1x128xf32>
    %slice3A_327 = vector.extract_strided_slice %select_n3A_201 {offsets = [13, 0], sizes = [1, 32], strides = [1, 1]} : vector<24x32xf32> to vector<1x32xf32>
    %get3A_328 = arith.constant 13 : index
    %get3A_329 = arith.constant 0 : index
    %get3A_330 = arith.constant 0 : index
    %get3A_331 = vector.load %arg8[%get3A_328, %get3A_329, %get3A_330] : memref<24x32x128xf32, #tpu.memory_space<vmem>>, vector<1x32x128xf32>
    %get3A_332 = vector.shape_cast %get3A_331 : vector<1x32x128xf32> to vector<32x128xf32>
    %dot_general3A_333 = arith.constant dense<0.000000e+00> : vector<1x128xf32>
    %dot_general3A_334 = tpu.matmul %slice3A_327, %get3A_332, %dot_general3A_333 {dimension_numbers = #tpu.dot_dimension_numbers<[1], [0], [0], [1], [0, 0, 1, 1], [], []>, transpose_lhs_hint = false} : vector<1x32xf32>, vector<32x128xf32>, vector<1x128xf32> -> vector<1x128xf32>
    %add3A_335 = arith.addf %add3A_299, %dot_general3A_334 : vector<1x128xf32>
    %slice3A_336 = vector.extract_strided_slice %select_n3A_201 {offsets = [14, 0], sizes = [1, 32], strides = [1, 1]} : vector<24x32xf32> to vector<1x32xf32>
    %get3A_337 = arith.constant 14 : index
    %get3A_338 = arith.constant 0 : index
    %get3A_339 = arith.constant 0 : index
    %get3A_340 = vector.load %arg8[%get3A_337, %get3A_338, %get3A_339] : memref<24x32x128xf32, #tpu.memory_space<vmem>>, vector<1x32x128xf32>
    %get3A_341 = vector.shape_cast %get3A_340 : vector<1x32x128xf32> to vector<32x128xf32>
    %dot_general3A_342 = arith.constant dense<0.000000e+00> : vector<1x128xf32>
    %dot_general3A_343 = tpu.matmul %slice3A_336, %get3A_341, %dot_general3A_342 {dimension_numbers = #tpu.dot_dimension_numbers<[1], [0], [0], [1], [0, 0, 1, 1], [], []>, transpose_lhs_hint = false} : vector<1x32xf32>, vector<32x128xf32>, vector<1x128xf32> -> vector<1x128xf32>
    %add3A_344 = arith.addf %add3A_308, %dot_general3A_343 : vector<1x128xf32>
    %slice3A_345 = vector.extract_strided_slice %select_n3A_201 {offsets = [15, 0], sizes = [1, 32], strides = [1, 1]} : vector<24x32xf32> to vector<1x32xf32>
    %get3A_346 = arith.constant 15 : index
    %get3A_347 = arith.constant 0 : index
    %get3A_348 = arith.constant 0 : index
    %get3A_349 = vector.load %arg8[%get3A_346, %get3A_347, %get3A_348] : memref<24x32x128xf32, #tpu.memory_space<vmem>>, vector<1x32x128xf32>
    %get3A_350 = vector.shape_cast %get3A_349 : vector<1x32x128xf32> to vector<32x128xf32>
    %dot_general3A_351 = arith.constant dense<0.000000e+00> : vector<1x128xf32>
    %dot_general3A_352 = tpu.matmul %slice3A_345, %get3A_350, %dot_general3A_351 {dimension_numbers = #tpu.dot_dimension_numbers<[1], [0], [0], [1], [0, 0, 1, 1], [], []>, transpose_lhs_hint = false} : vector<1x32xf32>, vector<32x128xf32>, vector<1x128xf32> -> vector<1x128xf32>
    %add3A_353 = arith.addf %add3A_317, %dot_general3A_352 : vector<1x128xf32>
    %slice3A_354 = vector.extract_strided_slice %select_n3A_201 {offsets = [16, 0], sizes = [1, 32], strides = [1, 1]} : vector<24x32xf32> to vector<1x32xf32>
    %get3A_355 = arith.constant 16 : index
    %get3A_356 = arith.constant 0 : index
    %get3A_357 = arith.constant 0 : index
    %get3A_358 = vector.load %arg8[%get3A_355, %get3A_356, %get3A_357] : memref<24x32x128xf32, #tpu.memory_space<vmem>>, vector<1x32x128xf32>
    %get3A_359 = vector.shape_cast %get3A_358 : vector<1x32x128xf32> to vector<32x128xf32>
    %dot_general3A_360 = arith.constant dense<0.000000e+00> : vector<1x128xf32>
    %dot_general3A_361 = tpu.matmul %slice3A_354, %get3A_359, %dot_general3A_360 {dimension_numbers = #tpu.dot_dimension_numbers<[1], [0], [0], [1], [0, 0, 1, 1], [], []>, transpose_lhs_hint = false} : vector<1x32xf32>, vector<32x128xf32>, vector<1x128xf32> -> vector<1x128xf32>
    %add3A_362 = arith.addf %add3A_326, %dot_general3A_361 : vector<1x128xf32>
    %slice3A_363 = vector.extract_strided_slice %select_n3A_201 {offsets = [17, 0], sizes = [1, 32], strides = [1, 1]} : vector<24x32xf32> to vector<1x32xf32>
    %get3A_364 = arith.constant 17 : index
    %get3A_365 = arith.constant 0 : index
    %get3A_366 = arith.constant 0 : index
    %get3A_367 = vector.load %arg8[%get3A_364, %get3A_365, %get3A_366] : memref<24x32x128xf32, #tpu.memory_space<vmem>>, vector<1x32x128xf32>
    %get3A_368 = vector.shape_cast %get3A_367 : vector<1x32x128xf32> to vector<32x128xf32>
    %dot_general3A_369 = arith.constant dense<0.000000e+00> : vector<1x128xf32>
    %dot_general3A_370 = tpu.matmul %slice3A_363, %get3A_368, %dot_general3A_369 {dimension_numbers = #tpu.dot_dimension_numbers<[1], [0], [0], [1], [0, 0, 1, 1], [], []>, transpose_lhs_hint = false} : vector<1x32xf32>, vector<32x128xf32>, vector<1x128xf32> -> vector<1x128xf32>
    %add3A_371 = arith.addf %add3A_335, %dot_general3A_370 : vector<1x128xf32>
    %slice3A_372 = vector.extract_strided_slice %select_n3A_201 {offsets = [18, 0], sizes = [1, 32], strides = [1, 1]} : vector<24x32xf32> to vector<1x32xf32>
    %get3A_373 = arith.constant 18 : index
    %get3A_374 = arith.constant 0 : index
    %get3A_375 = arith.constant 0 : index
    %get3A_376 = vector.load %arg8[%get3A_373, %get3A_374, %get3A_375] : memref<24x32x128xf32, #tpu.memory_space<vmem>>, vector<1x32x128xf32>
    %get3A_377 = vector.shape_cast %get3A_376 : vector<1x32x128xf32> to vector<32x128xf32>
    %dot_general3A_378 = arith.constant dense<0.000000e+00> : vector<1x128xf32>
    %dot_general3A_379 = tpu.matmul %slice3A_372, %get3A_377, %dot_general3A_378 {dimension_numbers = #tpu.dot_dimension_numbers<[1], [0], [0], [1], [0, 0, 1, 1], [], []>, transpose_lhs_hint = false} : vector<1x32xf32>, vector<32x128xf32>, vector<1x128xf32> -> vector<1x128xf32>
    %add3A_380 = arith.addf %add3A_344, %dot_general3A_379 : vector<1x128xf32>
    %slice3A_381 = vector.extract_strided_slice %select_n3A_201 {offsets = [19, 0], sizes = [1, 32], strides = [1, 1]} : vector<24x32xf32> to vector<1x32xf32>
    %get3A_382 = arith.constant 19 : index
    %get3A_383 = arith.constant 0 : index
    %get3A_384 = arith.constant 0 : index
    %get3A_385 = vector.load %arg8[%get3A_382, %get3A_383, %get3A_384] : memref<24x32x128xf32, #tpu.memory_space<vmem>>, vector<1x32x128xf32>
    %get3A_386 = vector.shape_cast %get3A_385 : vector<1x32x128xf32> to vector<32x128xf32>
    %dot_general3A_387 = arith.constant dense<0.000000e+00> : vector<1x128xf32>
    %dot_general3A_388 = tpu.matmul %slice3A_381, %get3A_386, %dot_general3A_387 {dimension_numbers = #tpu.dot_dimension_numbers<[1], [0], [0], [1], [0, 0, 1, 1], [], []>, transpose_lhs_hint = false} : vector<1x32xf32>, vector<32x128xf32>, vector<1x128xf32> -> vector<1x128xf32>
    %add3A_389 = arith.addf %add3A_353, %dot_general3A_388 : vector<1x128xf32>
    %slice3A_390 = vector.extract_strided_slice %select_n3A_201 {offsets = [20, 0], sizes = [1, 32], strides = [1, 1]} : vector<24x32xf32> to vector<1x32xf32>
    %get3A_391 = arith.constant 20 : index
    %get3A_392 = arith.constant 0 : index
    %get3A_393 = arith.constant 0 : index
    %get3A_394 = vector.load %arg8[%get3A_391, %get3A_392, %get3A_393] : memref<24x32x128xf32, #tpu.memory_space<vmem>>, vector<1x32x128xf32>
    %get3A_395 = vector.shape_cast %get3A_394 : vector<1x32x128xf32> to vector<32x128xf32>
    %dot_general3A_396 = arith.constant dense<0.000000e+00> : vector<1x128xf32>
    %dot_general3A_397 = tpu.matmul %slice3A_390, %get3A_395, %dot_general3A_396 {dimension_numbers = #tpu.dot_dimension_numbers<[1], [0], [0], [1], [0, 0, 1, 1], [], []>, transpose_lhs_hint = false} : vector<1x32xf32>, vector<32x128xf32>, vector<1x128xf32> -> vector<1x128xf32>
    %add3A_398 = arith.addf %add3A_362, %dot_general3A_397 : vector<1x128xf32>
    %slice3A_399 = vector.extract_strided_slice %select_n3A_201 {offsets = [21, 0], sizes = [1, 32], strides = [1, 1]} : vector<24x32xf32> to vector<1x32xf32>
    %get3A_400 = arith.constant 21 : index
    %get3A_401 = arith.constant 0 : index
    %get3A_402 = arith.constant 0 : index
    %get3A_403 = vector.load %arg8[%get3A_400, %get3A_401, %get3A_402] : memref<24x32x128xf32, #tpu.memory_space<vmem>>, vector<1x32x128xf32>
    %get3A_404 = vector.shape_cast %get3A_403 : vector<1x32x128xf32> to vector<32x128xf32>
    %dot_general3A_405 = arith.constant dense<0.000000e+00> : vector<1x128xf32>
    %dot_general3A_406 = tpu.matmul %slice3A_399, %get3A_404, %dot_general3A_405 {dimension_numbers = #tpu.dot_dimension_numbers<[1], [0], [0], [1], [0, 0, 1, 1], [], []>, transpose_lhs_hint = false} : vector<1x32xf32>, vector<32x128xf32>, vector<1x128xf32> -> vector<1x128xf32>
    %add3A_407 = arith.addf %add3A_371, %dot_general3A_406 : vector<1x128xf32>
    %slice3A_408 = vector.extract_strided_slice %select_n3A_201 {offsets = [22, 0], sizes = [1, 32], strides = [1, 1]} : vector<24x32xf32> to vector<1x32xf32>
    %get3A_409 = arith.constant 22 : index
    %get3A_410 = arith.constant 0 : index
    %get3A_411 = arith.constant 0 : index
    %get3A_412 = vector.load %arg8[%get3A_409, %get3A_410, %get3A_411] : memref<24x32x128xf32, #tpu.memory_space<vmem>>, vector<1x32x128xf32>
    %get3A_413 = vector.shape_cast %get3A_412 : vector<1x32x128xf32> to vector<32x128xf32>
    %dot_general3A_414 = arith.constant dense<0.000000e+00> : vector<1x128xf32>
    %dot_general3A_415 = tpu.matmul %slice3A_408, %get3A_413, %dot_general3A_414 {dimension_numbers = #tpu.dot_dimension_numbers<[1], [0], [0], [1], [0, 0, 1, 1], [], []>, transpose_lhs_hint = false} : vector<1x32xf32>, vector<32x128xf32>, vector<1x128xf32> -> vector<1x128xf32>
    %add3A_416 = arith.addf %add3A_380, %dot_general3A_415 : vector<1x128xf32>
    %slice3A_417 = vector.extract_strided_slice %select_n3A_201 {offsets = [23, 0], sizes = [1, 32], strides = [1, 1]} : vector<24x32xf32> to vector<1x32xf32>
    %get3A_418 = arith.constant 23 : index
    %get3A_419 = arith.constant 0 : index
    %get3A_420 = arith.constant 0 : index
    %get3A_421 = vector.load %arg8[%get3A_418, %get3A_419, %get3A_420] : memref<24x32x128xf32, #tpu.memory_space<vmem>>, vector<1x32x128xf32>
    %get3A_422 = vector.shape_cast %get3A_421 : vector<1x32x128xf32> to vector<32x128xf32>
    %dot_general3A_423 = arith.constant dense<0.000000e+00> : vector<1x128xf32>
    %dot_general3A_424 = tpu.matmul %slice3A_417, %get3A_422, %dot_general3A_423 {dimension_numbers = #tpu.dot_dimension_numbers<[1], [0], [0], [1], [0, 0, 1, 1], [], []>, transpose_lhs_hint = false} : vector<1x32xf32>, vector<32x128xf32>, vector<1x128xf32> -> vector<1x128xf32>
    %add3A_425 = arith.addf %add3A_389, %dot_general3A_424 : vector<1x128xf32>
    %add3A_426 = arith.addf %add3A_398, %add3A_407 : vector<1x128xf32>
    %add3A_427 = arith.addf %add3A_416, %add3A_425 : vector<1x128xf32>
    %add3A_428 = arith.addf %add3A_426, %add3A_427 : vector<1x128xf32>
    %get3A_429 = arith.constant 0 : index
    %get3A_430 = arith.constant 0 : index
    %get3A_431 = vector.load %arg10[%get3A_429, %get3A_430] : memref<128x2xf32, #tpu.memory_space<vmem>>, vector<128x2xf32>
    %dot_general3A_432 = arith.constant dense<0.000000e+00> : vector<1x2xf32>
    %dot_general3A_433 = tpu.matmul %add3A_428, %get3A_431, %dot_general3A_432 {dimension_numbers = #tpu.dot_dimension_numbers<[1], [0], [0], [1], [0, 0, 1, 1], [], []>, transpose_lhs_hint = false} : vector<1x128xf32>, vector<128x2xf32>, vector<1x2xf32> -> vector<1x2xf32>
    %get3A_434 = arith.constant 0 : index
    %get3A_435 = vector.load %arg11[%get3A_434] : memref<2xf32, #tpu.memory_space<vmem>>, vector<2xf32>
    %reshape3A_436 = vector.shape_cast %get3A_435 : vector<2xf32> to vector<1x2xf32>
    %add3A_437 = arith.addf %dot_general3A_433, %reshape3A_436 : vector<1x2xf32>
    %reduce_max3A = arith.constant dense<0xFF800000> : vector<1xf32>
    %reduce_max3A_438 = vector.multi_reduction <maximumf>, %add3A_437, %reduce_max3A [1] : vector<1x2xf32> to vector<1xf32>
    %broadcast_in_dim3A_439 = vector.shape_cast %reduce_max3A_438 : vector<1xf32> to vector<1x1xf32>
    %sub3A_440 = vector.broadcast %broadcast_in_dim3A_439 : vector<1x1xf32> to vector<1x2xf32>
    %sub3A_441 = arith.subf %add3A_437, %sub3A_440 : vector<1x2xf32>
    %exp3A_442 = math.exp %sub3A_441 : vector<1x2xf32>
    %reduce_sum3A = arith.constant dense<0.000000e+00> : vector<1xf32>
    %reduce_sum3A_443 = vector.multi_reduction <add>, %exp3A_442, %reduce_sum3A [1] : vector<1x2xf32> to vector<1xf32>
    %broadcast_in_dim3A_444 = vector.shape_cast %reduce_sum3A_443 : vector<1xf32> to vector<1x1xf32>
    %log3A = math.log %broadcast_in_dim3A_444 : vector<1x1xf32>
    %add3A_445 = arith.addf %broadcast_in_dim3A_439, %log3A : vector<1x1xf32>
    %sub3A_446 = vector.broadcast %add3A_445 : vector<1x1xf32> to vector<1x2xf32>
    %sub3A_447 = arith.subf %add3A_437, %sub3A_446 : vector<1x2xf32>
    %swap3A = arith.constant 0 : index
    %swap3A_448 = arith.constant 0 : index
    %swap3A_449 = vector.load %arg12[%swap3A, %swap3A_448] : memref<1x2xf32, #tpu.memory_space<vmem>>, vector<1x2xf32>
    tpu.vector_store %arg12[%swap3A, %swap3A_448], %sub3A_447 {strides = array<i32>} : memref<1x2xf32, #tpu.memory_space<vmem>>, vector<1x2xf32>,
    return
  }
}

</mosaic_0001>

<sc_bundles>
// kernel: kernel.4.cloned.1.call-start
scs
__scs_entry_jumppad:
0x0: {  	(pc) =	sbr.rel $0x88, $3  }
0x1: {  	(tag) =	ssettag $0x0;
	lr =	simm.s32 $0x1  }
0x2: {  	[smem:$0x3F95] =	sst lr;
	_ =	strace $0xD0000000  }
0x3: {  	_ = 	snop  }
0x4: {  	_ = 	snop  }
0x5: {  	_ = 	snop  }
0x6: {  	_ = 	snop  }
0x7: {  	_ = 	snop  }
__scs_overlays_trampoline_lowered:
0x8: {  	[smem:$0x3FA4] =	sst s0  }
0x9: {  	[smem:$0x3FA5] =	sst s1  }
0xa: {  	[smem:$0x3FA6] =	sst s2  }
0xb: {  	[smem:$0x3FA7] =	sst s3  }
0xc: {  	[smem:$0x3FA8] =	sst s4  }
0xd: {  	[smem:$0x3FA9] =	sst s5  }
0xe: {  	[smem:$0x3FAA] =	sst s6  }
0xf: {  	[smem:$0x3FAB] =	sst s7  }
0x10: {  	[smem:$0x3FAC] =	sst s8  }
0x11: {  	[smem:$0x3FAD] =	sst s9;
	s0 =	simm.s32 @!p0 $0x0  }
0x12: {  	s1 =	sld [smem:$0x3F93];
	s0 =	simm.s32 @p0 $0x1  }
0x13: {  	[smem:$0x3FAE] =	sst s0;
	s0 =	simm.s32 @!p1 $0x0  }
0x14: {  	s2 =	sld [smem:$0x3F92];
	s0 =	simm.s32 @p1 $0x1  }
0x15: {  	[smem:$0x3FAF] =	sst s0;
	s0 =	simm.s32 @!p2 $0x0  }
0x16: {  	s3 =	sld [smem:$0x3FDB];
	s0 =	simm.s32 @p2 $0x1  }
0x17: {  	s4 =	simm.s32 $0x1BF5;
	[smem:$0x3FB1] =	sst s0  }
0x18: {  	s0 =	sld [smem:$0x3F94];
	_ =	swait.ge [sflag:s4], $0x0  }
0x19: {  	s7 =	sld [smem:$0x3F95]  }
0x1a: {  	s8 =	sadd.s32 $0xFFFFE003, lr  }
0x1b: {  	s9 =	sadd.s32 $0xFFFFFEF7, lr;
	s5 =	simm.s32 $0xFFFFFFFF;
	p2 =	slt.u32 s8, $0xFFFFF086  }
0x1c: {  	p1 =	slt.u32 s9, $0xF7A;
	s5 =	simm.s32 @!p2 $0x0  }
0x1d: {  	s5 =	simm.s32 @p1 $0x1;
	p0 =	seq.s32 s7, s2  }
0x1e: {  	s7 =	smul.u32 @!p0 $0xF7A, s2;
	p2 =	seq.s32 @!p0 s5, $0x0  }
0x1f: {  	s9 =	smul.u32 $0xF7A, s1;
	s8 =	simm.s32 @!p0 $0x1BF5;
	p2 =	por !p2, p0  }
0x20: {  	[sflag:s8] =	ssyncset.s32 @!p0 $0xFFFFF086;
	s6 =	sadd.s32 @!p0 s3, s7;
	s7 =	simm.s32 @!p0 $0x108  }
0x21: {  	s3 =	sadd.s32 s3, s9;
	s6 =	sadd.s32 @!p0 $0x88, s6;
	s7 =	simm.s32 @p2 $0x1082  }
0x22: {  	[simem:s7], [sflag:s8] =	dma.local @!p0 [hbm:s6], $0xF7A  }
0x23: {  	s9 =	sor.u32 $0xD0000000, s2;
	s6 =	simm.s32 $0x108;
	_ =	swait.ge @!p0 [sflag:s8], $0x0  }
0x24: {  	s3 =	sadd.s32 $0x88, s3;
	s6 =	simm.s32 @!p1 $0x1082;
	[sflag:s4] =	ssyncset.s32 $0xFFFFF086  }
0x25: {  	[simem:s6], [sflag:s4] =	dma.local [hbm:s3], $0xF7A  }
0x26: {  	[smem:$0x3F95] =	sst s1;
	(tag) =	ssettag s2;
	_ =	strace s9  }
0x27: {  	s1 =	sld [smem:$0x3FA5]  }
0x28: {  	s2 =	sld [smem:$0x3FA6]  }
0x29: {  	s4 =	sld [smem:$0x3FA8]  }
0x2a: {  	p0 =	seq.s32 s5, $0x0;
	s5 =	sld [smem:$0x3FA9]  }
0x2b: {  	s6 =	sld [smem:$0x3FAA]  }
0x2c: {  	s7 =	sld [smem:$0x3FAB]  }
0x2d: {  	s3 =	simm.s32 $0x108;
	s8 =	sld [smem:$0x3FAC]  }
0x2e: {  	s3 =	simm.s32 @!p0 $0x1082;
	s9 =	sld [smem:$0x3FAD]  }
0x2f: {  	lr =	sadd.s32 s0, s3;
	s0 =	sld [smem:$0x3FA4]  }
0x30: {  	s3 =	sld [smem:$0x3FA7]  }
0x31: {  	[smem:$0x3FB0] =	sst s10  }
0x32: {  	s10 =	sld [smem:$0x3FAE];
	_ =	sdelay $0x3  }
0x33: {  	p0 =	seq.s32 s10, $0x1;
	s10 =	sld [smem:$0x3FB0];
	_ =	sdelay $0x3  }
0x34: {  	[smem:$0x3FB0] =	sst s10  }
0x35: {  	s10 =	sld [smem:$0x3FAF];
	_ =	sdelay $0x3  }
0x36: {  	p1 =	seq.s32 s10, $0x1;
	s10 =	sld [smem:$0x3FB0];
	_ =	sdelay $0x3  }
0x37: {  	[smem:$0x3FB0] =	sst s10  }
0x38: {  	s10 =	sld [smem:$0x3FB1]  }
0x39: {  	_ = 	snop;
	(pc) =	sbr.ind lr, $3  }
0x3a: {  	_ = 	snop  }
0x3b: {  	_ = 	snop  }
0x3c: {  	p2 =	seq.s32 s10, $0x1;
	s10 =	sld [smem:$0x3FB0]  }
0x3d: {  	_ =	shalt  }
0x3e: {  	_ =	shalt  }
0x3f: {  	_ =	shalt  }
0x40: {  	_ =	shalt  }
0x41: {  	_ =	shalt  }
0x42: {  	_ =	shalt  }
0x43: {  	_ =	shalt  }
0x44: {  	_ =	shalt  }
0x45: {  	_ =	shalt  }
0x46: {  	_ =	shalt  }
0x47: {  	_ =	shalt  }
0x48: {  	_ =	shalt  }
0x49: {  	_ =	shalt  }
0x4a: {  	_ =	shalt  }
0x4b: {  	_ =	shalt  }
0x4c: {  	_ =	shalt  }
0x4d: {  	_ =	shalt  }
0x4e: {  	_ =	shalt  }
0x4f: {  	_ =	shalt  }
0x50: {  	_ =	shalt  }
0x51: {  	_ =	shalt  }
0x52: {  	_ =	shalt  }
0x53: {  	_ =	shalt  }
0x54: {  	_ =	shalt  }
0x55: {  	_ =	shalt  }
0x56: {  	_ =	shalt  }
0x57: {  	_ =	shalt  }
0x58: {  	_ =	shalt  }
0x59: {  	_ =	shalt  }
0x5a: {  	_ =	shalt  }
0x5b: {  	_ =	shalt  }
0x5c: {  	_ =	shalt  }
0x5d: {  	_ =	shalt  }
0x5e: {  	_ =	shalt  }
0x5f: {  	_ =	shalt  }
0x60: {  	_ =	shalt  }
0x61: {  	_ =	shalt  }
0x62: {  	_ =	shalt  }
0x63: {  	_ =	shalt  }
0x64: {  	_ =	shalt  }
0x65: {  	_ =	shalt  }
0x66: {  	_ =	shalt  }
0x67: {  	_ =	shalt  }
0x68: {  	_ =	shalt  }
0x69: {  	_ =	shalt  }
0x6a: {  	_ =	shalt  }
0x6b: {  	_ =	shalt  }
0x6c: {  	_ =	shalt  }
0x6d: {  	_ =	shalt  }
0x6e: {  	_ =	shalt  }
0x6f: {  	_ =	shalt  }
0x70: {  	_ =	shalt  }
0x71: {  	_ =	shalt  }
0x72: {  	_ =	shalt  }
0x73: {  	_ =	shalt  }
0x74: {  	_ =	shalt  }
0x75: {  	_ =	shalt  }
0x76: {  	_ =	shalt  }
0x77: {  	_ =	shalt  }
0x78: {  	_ =	shalt  }
0x79: {  	_ =	shalt  }
0x7a: {  	_ =	shalt  }
0x7b: {  	_ =	shalt  }
0x7c: {  	_ =	shalt  }
0x7d: {  	_ =	shalt  }
0x7e: {  	_ =	shalt  }
0x7f: {  	_ =	shalt  }
0x80: {  	_ =	shalt  }
0x81: {  	_ =	shalt  }
0x82: {  	_ =	shalt  }
0x83: {  	_ =	shalt  }
0x84: {  	_ =	shalt  }
0x85: {  	_ =	shalt  }
0x86: {  	_ =	shalt  }
0x87: {  	_ =	shalt  }
.Lfunc_end0:
.L_simem_size_0:
called_computation_lowered:
.L_overlay_start_0:
0x88: {  	s0 =	sld [smem:$0x3FD9]  }
0x89: {  	s1 =	sld [smem:$0x3FFE];
	_ =	sdelay $0x3  }
0x8a: {  	s0 =	sadd.s32 s1, s0  }
0x8b: {  	[smem:$0x3FBC] =	sst s0  }
0x8c: {  	_ = 	snop  }
0x8d: {  	s0 =	sld [smem:$0x3FC8];
	(tm) =	ssettm $0x1  }
0x8e: {  	s25 =	sld [smem:$0x3FFB];
	_ =	sdelay $0x3  }
0x8f: {  	_ =	strace s25  }
0x90: {  	s1 =	sld [smem:$0x3FFC];
	_ =	sdelay $0x3  }
0x91: {  	_ =	strace s1  }
0x92: {  	s1 =	sld [smem:$0x3FFD];
	_ =	sdelay $0x3  }
0x93: {  	_ =	strace s1  }
0x94: {  	s26 =	simm.s32 $0x1B8B;
	_ =	strace $0x8FFFFFFF  }
0x95: {  	_ =	swait.ge [sflag:s26], $0x1  }
0x96: {  	[sflag:s26] =	ssyncset.done $0x0  }
0x97: {  	s2 =	simm.s32 $0x1B8E;
	s28 =	sld [smem:$0x3FFE];
	[sflag:s26] =	ssyncadd.s32 $0xFFFFFFFF  }
0x98: {  	[smem:$0x3FD2] =	sst s2  }
0x99: {  	s29 =	simm.s32 $0x9;
	s3 =	simm.s32 $0x10;
	_ =	strace $0x80000046  }
0x9a: {  	[smem:s3], [sflag:s29] =	dma.local [hbm:s0], $0x20  }
0x9b: {  	s31 =	simm.s32 $0xA;
	s4 =	simm.s32 $0x110;
	s30 =	sadd.s32 $0x1C00, s28  }
0x9c: {  	[smem:s4], [sflag:s31] =	dma.local [hbm:s30], $0x180  }
0x9d: {  	_ =	swait.ge [sflag:s29], $0x20  }
0x9e: {  	[sflag:s29] =	ssyncset.done $0x0  }
0x9f: {  	[sflag:s29] =	ssyncadd.s32 $0xFFFFFFE0;
	_ =	sdelay $0x2  }
0xa0: {  	_ =	swait.ge [sflag:s31], $0x180  }
0xa1: {  	s2 =	simm.s32 $0x4;
	s0 =	srdreg.scid;
	[sflag:s31] =	ssyncset.done $0x0  }
0xa2: {  	s1 =	sadd.s32 $0x1E00, s28;
	s3 =	simm.s32 $0x0;
	[sflag:s31] =	ssyncadd.s32 $0xFFFFFE80  }
.LBB1_1:
0xa3: {  	p0 =	sne.s32 s2, $0x1FC;
	s4 =	sld [smem:s3+$0x90]  }
0xa4: {  	s3 =	sld [smem:s3+$0x10];
	_ =	sdelay $0x2  }
0xa5: {  	s4 =	sshll.u32 s4, $0x7  }
0xa6: {  	s5 =	sand.u32 $0xFFFFFF80, s3;
	s4 =	sand.u32 $0x3FFFFF80, s4  }
0xa7: {  	s3 =	sand.u32 $0x7F, s3;
	s4 =	sadd.s32 s5, s4  }
0xa8: {  	s4 =	sor.u32 s3, s4  }
0xa9: {  	s3 =	sld [smem:s4+$0x110];
	_ =	sdelay $0x1  }
.Ltmp0:
0xaa: {  	(pc) =	sbr.rel @p0 .LBB1_1-.Ltmp0, $3  }
0xab: {  	_ = 	snop  }
0xac: {  	s5 =	sadd.s32 $0x1, s3  }
0xad: {  	s3 =	sshra.s32 s2, $0x2;
	s2 =	sadd.s32 $0x4, s2;
	[smem:s4+$0x110] =	sst s5  }
0xae: {  	s2 =	sld [smem:s3+$0x90]  }
0xaf: {  	s24 =	sld [smem:s3+$0x10];
	_ =	sdelay $0x2  }
0xb0: {  	s2 =	sshll.u32 s2, $0x7  }
0xb1: {  	s4 =	sand.u32 $0xFFFFFF80, s24;
	s2 =	sand.u32 $0x3FFFFF80, s2  }
0xb2: {  	s3 =	sand.u32 $0x7F, s24;
	s2 =	sadd.s32 s4, s2  }
0xb3: {  	s2 =	sor.u32 s3, s2  }
0xb4: {  	s3 =	sld [smem:s2+$0x110];
	_ =	sdelay $0x3  }
0xb5: {  	s3 =	sadd.s32 $0x1, s3  }
0xb6: {  	s25 =	simm.s32 $0x110;
	s26 =	simm.s32 $0xB;
	[smem:s2+$0x110] =	sst s3  }
0xb7: {  	[hbm:s1], [sflag:s26] =	dma.local [smem:s25], $0x180  }
0xb8: {  	_ =	swait.ge [sflag:s26], $0x180  }
0xb9: {  	[sflag:s26] =	ssyncset.done $0x0  }
0xba: {  	[sflag:s26] =	ssyncadd.s32 $0xFFFFFE80  }
0xbb: {  	_ =	strace $0x90000046  }
0xbc: {  	_ =	sfence  }
0xbd: {  	s28 =	sld [smem:$0x0];
	_ =	sdelay $0x2  }
0xbe: {  	s29 =	sshll.u32 s0, $0xD;
	s30 =	sshrl.u32 s0, $0x2  }
0xbf: {  	s31 =	sand.u32 $0x1, s0;
	s2 =	sand.u32 $0x4000, s29;
	s1 =	sadd.s32 s30, s28  }
0xc0: {  	s0 =	sor.u32 s2, s31;
	s1 =	sshll.u32 s1, $0x11  }
0xc1: {  	s0 =	sor.u32 s1, s0  }
0xc2: {  	s0 =	sadd.s32 $0x8F2B, s0;
	(pc) =	sbr.abs _section_cstart, $3  }
0xc3: {  	[sflag:s0] =	ssyncadd.remote.s32 $0x1  }
0xc4: {  	_ =	strace $0x9FFFFFFF  }
0xc5: {  	(tm) =	ssettm $0x7FFFFFFF  }

</sc_bundles>
